<compile_context>
chip_gen: v7x
topology: tpu7x:2x2x1
jax: 0.10.2.dev20260603
libtpu: 0.0.44.dev20260713+nightly
codegen_flags: <defaults>
</compile_context>

<pallas_src>
import functools

import jax
import jax.numpy as jnp
from jax import lax
from jax.experimental import pallas as pl
from jax.experimental.pallas import tpu as pltpu
from jax.experimental.pallas import tpu_sc as plsc

_N_BITS = 2048
_N_PER_NEURON = 12
_RAM_SIZE = 4096
_L = 16


def _body(a_hbm, b_hbm, conn_hbm, ram_hbm, out_hbm,
          pair_v, conn_v, ram_v, out_v, sem_a, sem_b, sem_r, sem_c):
    conn_v[...] = jnp.zeros((_L,), jnp.int32)
    cp_c = pltpu.async_copy(conn_hbm, conn_v.at[pl.ds(0, _N_PER_NEURON)], sem_c)
    cp_a = pltpu.async_copy(a_hbm, pair_v.at[pl.ds(0, _N_BITS)], sem_a)
    cp_b = pltpu.async_copy(b_hbm, pair_v.at[pl.ds(_N_BITS, _N_BITS)], sem_b)
    cp_r = pltpu.async_copy(ram_hbm, ram_v, sem_r)
    cp_c.wait()
    cp_a.wait()
    cp_b.wait()

    idx = conn_v[...]
    bits = plsc.load_gather(pair_v, [idx])
    lane = lax.iota(jnp.int32, _L)
    weights = jnp.where(lane < _N_PER_NEURON,
                        lax.shift_left(jnp.ones((_L,), jnp.int32), lane),
                        0)
    addr = jnp.sum(bits * weights)
    addr_vec = jnp.broadcast_to(addr, (_L,))

    cp_r.wait()
    vals = plsc.load_gather(ram_v, [addr_vec])
    out_v[...] = vals
    pltpu.sync_copy(out_v.at[pl.ds(0, 8)], out_hbm)


_sc_lookup = functools.partial(
    pl.kernel,
    mesh=plsc.VectorSubcoreMesh(core_axis_name="c", subcore_axis_name="s",
                                num_cores=1, num_subcores=1),
    out_type=jax.ShapeDtypeStruct((8,), jnp.float32),
    compiler_params=pltpu.CompilerParams(needs_layout_passes=False),
    scratch_types=[
        pltpu.VMEM((2 * _N_BITS,), jnp.int32),
        pltpu.VMEM((_L,), jnp.int32),
        pltpu.VMEM((_RAM_SIZE,), jnp.float32),
        pltpu.VMEM((_L,), jnp.float32),
        pltpu.SemaphoreType.DMA,
        pltpu.SemaphoreType.DMA,
        pltpu.SemaphoreType.DMA,
        pltpu.SemaphoreType.DMA,
    ],
)(_body)


def kernel(a, b, connections, ram):
    a = a.reshape(_N_BITS)
    b = b.reshape(_N_BITS)
    conn = connections.reshape(_N_PER_NEURON)
    ram_row = ram.reshape(_RAM_SIZE)
    return _sc_lookup(a, b, conn, ram_row)[0]

# --- scband reference (transcript-rebuilt; emitter-appended) ---
"""Pipeline reference for scband-learned-comparator-88665304858916 (READ-ONLY COPY).

The authoritative reference and input builder live on the scoring server;
editing this copy changes nothing except your own understanding.
"""

import jax, jax.numpy as jnp
import numpy as np

N_BITS = 2048
NUM_NEURONS = 1
N_BITS_PER_NEURON = min(2 * N_BITS, 12)
RAM_SIZE = 2 ** N_BITS_PER_NEURON


def setup_inputs(seed: int = 0) -> dict:
    key = jax.random.key(seed)
    k1, k2, k3, k4 = jax.random.split(key, 4)
    # bit vectors for the two values being compared
    a = jax.random.randint(k1, (N_BITS,), 0, 2, dtype=jnp.int32)
    b = jax.random.randint(k2, (N_BITS,), 0, 2, dtype=jnp.int32)
    # RAMLayer params: random bit->neuron connection map and RAM contents
    perm = jax.random.permutation(k3, 2 * N_BITS)
    connections = perm[: NUM_NEURONS * N_BITS_PER_NEURON].reshape(NUM_NEURONS, N_BITS_PER_NEURON).astype(jnp.int32)
    ram = jax.random.uniform(k4, (NUM_NEURONS, RAM_SIZE), dtype=jnp.float32)
    return {"a": a, "b": b, "connections": connections, "ram": ram}


def _ram_layer(x, connections, ram):
    # x: [B, total_input_bits] of 0/1
    B = x.shape[0]
    # gather the bits each neuron is wired to
    bits = jnp.take(x, connections.reshape(-1), axis=1)
    bits = bits.reshape(B, NUM_NEURONS, N_BITS_PER_NEURON)
    # form RAM address from the gathered bits
    weights = (2 ** jnp.arange(N_BITS_PER_NEURON)).astype(jnp.int32)
    addr = jnp.sum(bits * weights[None, None, :], axis=-1)  # [B, NUM_NEURONS]
    # lookup RAM cell per neuron (embedding-style gather)
    neuron_ids = jnp.arange(NUM_NEURONS)[None, :]
    out = ram[neuron_ids, addr]  # [B, NUM_NEURONS]
    return out


def reference(a, b, connections, ram):
    a = a.squeeze() if a.ndim > 1 else a
    b = b.squeeze() if b.ndim > 1 else b
    pair = jnp.concatenate([a, b])  # [2 * n_bits]
    result = _ram_layer(pair[None, :], connections, ram).squeeze()
    return result

if __name__ == "__main__":
    import jax
    _d = setup_inputs()
    print(jax.jit(kernel)(*tuple(_d.values())))

</pallas_src>

<mosaic_0001>
#map = affine_map<(d0, d1) -> (0)>
module attributes {stable_mosaic.version = 14 : i64} {
  func.func @_body(%arg0: i32, %arg1: i32, %arg2: memref<2048xi32, #tpu.memory_space<hbm>>, %arg3: memref<2048xi32, #tpu.memory_space<hbm>>, %arg4: memref<12xi32, #tpu.memory_space<hbm>>, %arg5: memref<4096xf32, #tpu.memory_space<hbm>>, %arg6: memref<8xf32, #tpu.memory_space<hbm>>, %arg7: memref<4096xi32, #tpu.memory_space<vmem>>, %arg8: memref<16xi32, #tpu.memory_space<vmem>>, %arg9: memref<4096xf32, #tpu.memory_space<vmem>>, %arg10: memref<16xf32, #tpu.memory_space<vmem>>, %arg11: memref<!tpu.dma_semaphore, #tpu.memory_space<semaphore_mem>>, %arg12: memref<!tpu.dma_semaphore, #tpu.memory_space<semaphore_mem>>, %arg13: memref<!tpu.dma_semaphore, #tpu.memory_space<semaphore_mem>>, %arg14: memref<!tpu.dma_semaphore, #tpu.memory_space<semaphore_mem>>) attributes {dimension_semantics = [#tpu.dimension_semantics<core_parallel>, #tpu.dimension_semantics<subcore_parallel>], iteration_bounds = array<i64: 1, 1>, scalar_prefetch = 0 : i64, scratch_operands = 8 : i64, tpu.core_type = #tpu.core_type<sc_vector_subcore>, window_params = [{transform_indices = #map}, {transform_indices = #map}, {transform_indices = #map}, {transform_indices = #map}, {transform_indices = #map}]} {
    %broadcast_in_dim3A = arith.constant 0 : i32
    %broadcast_in_dim3A_0 = vector.broadcast %broadcast_in_dim3A : i32 to vector<16xi32>
    %swap3A = arith.constant 0 : index
    %swap3A_1 = tpu.vector_load %arg8[%swap3A] {strides = array<i32>} : memref<16xi32, #tpu.memory_space<vmem>>, vector<16xi32>,
    tpu.vector_store %arg8[%swap3A], %broadcast_in_dim3A_0 {strides = array<i32>} : memref<16xi32, #tpu.memory_space<vmem>>, vector<16xi32>,
    %dma_start3A = arith.constant 0 : i32
    %dma_start3A_2 = tpu.memref_slice %arg8[%dma_start3A] : memref<16xi32, #tpu.memory_space<vmem>> -> memref<12xi32, #tpu.memory_space<vmem>>
    %dma_start3A_3 = arith.constant 0 : i32
    %dma_start3A_4 = tpu.memref_slice %arg8[%dma_start3A_3] : memref<16xi32, #tpu.memory_space<vmem>> -> memref<12xi32, #tpu.memory_space<vmem>>
    tpu.enqueue_dma source(%arg4 : memref<12xi32, #tpu.memory_space<hbm>>) target(%dma_start3A_4 : memref<12xi32, #tpu.memory_space<vmem>>) target_semaphore(%arg14 : memref<!tpu.dma_semaphore, #tpu.memory_space<semaphore_mem>>)
    %dma_start3A_5 = arith.constant 0 : i32
    %dma_start3A_6 = tpu.memref_slice %arg7[%dma_start3A_5] : memref<4096xi32, #tpu.memory_space<vmem>> -> memref<2048xi32, #tpu.memory_space<vmem>>
    %dma_start3A_7 = arith.constant 0 : i32
    %dma_start3A_8 = tpu.memref_slice %arg7[%dma_start3A_7] : memref<4096xi32, #tpu.memory_space<vmem>> -> memref<2048xi32, #tpu.memory_space<vmem>>
    tpu.enqueue_dma source(%arg2 : memref<2048xi32, #tpu.memory_space<hbm>>) target(%dma_start3A_8 : memref<2048xi32, #tpu.memory_space<vmem>>) target_semaphore(%arg11 : memref<!tpu.dma_semaphore, #tpu.memory_space<semaphore_mem>>)
    %dma_start3A_9 = arith.constant 2048 : i32
    %dma_start3A_10 = tpu.memref_slice %arg7[%dma_start3A_9] : memref<4096xi32, #tpu.memory_space<vmem>> -> memref<2048xi32, #tpu.memory_space<vmem>>
    %dma_start3A_11 = arith.constant 2048 : i32
    %dma_start3A_12 = tpu.memref_slice %arg7[%dma_start3A_11] : memref<4096xi32, #tpu.memory_space<vmem>> -> memref<2048xi32, #tpu.memory_space<vmem>>
    tpu.enqueue_dma source(%arg3 : memref<2048xi32, #tpu.memory_space<hbm>>) target(%dma_start3A_12 : memref<2048xi32, #tpu.memory_space<vmem>>) target_semaphore(%arg12 : memref<!tpu.dma_semaphore, #tpu.memory_space<semaphore_mem>>)
    tpu.enqueue_dma source(%arg5 : memref<4096xf32, #tpu.memory_space<hbm>>) target(%arg9 : memref<4096xf32, #tpu.memory_space<vmem>>) target_semaphore(%arg13 : memref<!tpu.dma_semaphore, #tpu.memory_space<semaphore_mem>>)
    %dma_wait3A = arith.constant 0 : i32
    %dma_wait3A_13 = tpu.memref_slice %arg8[%dma_wait3A] : memref<16xi32, #tpu.memory_space<vmem>> -> memref<12xi32, #tpu.memory_space<vmem>>
    %dma_wait3A_14 = arith.constant 0 : i32
    %dma_wait3A_15 = tpu.memref_slice %arg8[%dma_wait3A_14] : memref<16xi32, #tpu.memory_space<vmem>> -> memref<12xi32, #tpu.memory_space<vmem>>
    tpu.wait_dma2 semaphore(%arg14 : memref<!tpu.dma_semaphore, #tpu.memory_space<semaphore_mem>>) src(%arg4 : memref<12xi32, #tpu.memory_space<hbm>>) dst(%dma_wait3A_15 : memref<12xi32, #tpu.memory_space<vmem>>)
    %dma_wait3A_16 = arith.constant 0 : i32
    %dma_wait3A_17 = tpu.memref_slice %arg7[%dma_wait3A_16] : memref<4096xi32, #tpu.memory_space<vmem>> -> memref<2048xi32, #tpu.memory_space<vmem>>
    %dma_wait3A_18 = arith.constant 0 : i32
    %dma_wait3A_19 = tpu.memref_slice %arg7[%dma_wait3A_18] : memref<4096xi32, #tpu.memory_space<vmem>> -> memref<2048xi32, #tpu.memory_space<vmem>>
    tpu.wait_dma2 semaphore(%arg11 : memref<!tpu.dma_semaphore, #tpu.memory_space<semaphore_mem>>) src(%arg2 : memref<2048xi32, #tpu.memory_space<hbm>>) dst(%dma_wait3A_19 : memref<2048xi32, #tpu.memory_space<vmem>>)
    %dma_wait3A_20 = arith.constant 2048 : i32
    %dma_wait3A_21 = tpu.memref_slice %arg7[%dma_wait3A_20] : memref<4096xi32, #tpu.memory_space<vmem>> -> memref<2048xi32, #tpu.memory_space<vmem>>
    %dma_wait3A_22 = arith.constant 2048 : i32
    %dma_wait3A_23 = tpu.memref_slice %arg7[%dma_wait3A_22] : memref<4096xi32, #tpu.memory_space<vmem>> -> memref<2048xi32, #tpu.memory_space<vmem>>
    tpu.wait_dma2 semaphore(%arg12 : memref<!tpu.dma_semaphore, #tpu.memory_space<semaphore_mem>>) src(%arg3 : memref<2048xi32, #tpu.memory_space<hbm>>) dst(%dma_wait3A_23 : memref<2048xi32, #tpu.memory_space<vmem>>)
    %get3A = arith.constant 0 : index
    %get3A_24 = tpu.vector_load %arg8[%get3A] {strides = array<i32>} : memref<16xi32, #tpu.memory_space<vmem>>, vector<16xi32>,
    %gather3A = tpu.vector_load_idx %arg7[%get3A_24] : memref<4096xi32, #tpu.memory_space<vmem>>[vector<16xi32>], vector<16xi32>,
    %iota3A = tpu.iota {dimensions = array<i32: 0>} : vector<16xi32>
    %lt3A = arith.constant 12 : i32
    %lt3A_25 = vector.broadcast %lt3A : i32 to vector<16xi32>
    %lt3A_26 = arith.cmpi slt, %iota3A, %lt3A_25 : vector<16xi32>
    %broadcast_in_dim3A_27 = arith.constant 1 : i32
    %broadcast_in_dim3A_28 = vector.broadcast %broadcast_in_dim3A_27 : i32 to vector<16xi32>
    %shift_left3A = arith.shli %broadcast_in_dim3A_28, %iota3A : vector<16xi32>
    %jit3A = arith.constant 0 : i32
    %broadcast_in_dim3A_29 = vector.broadcast %jit3A : i32 to vector<16xi32>
    %select_n3A = arith.select %lt3A_26, %shift_left3A, %broadcast_in_dim3A_29 : vector<16xi1>, vector<16xi32>
    %mul3A = arith.muli %gather3A, %select_n3A : vector<16xi32>
    %reduce_sum3A = arith.constant true
    %reduce_sum3A_30 = vector.broadcast %reduce_sum3A : i1 to vector<16xi1>
    %reduce_sum3A_31 = tpu.scan <sum>, %mul3A masked %reduce_sum3A_30 : vector<16xi32>, vector<16xi1> -> vector<16xi32>
    %reduce_sum3A_32 = vector.extract %reduce_sum3A_31[15] : i32 from vector<16xi32>
    %broadcast_in_dim3A_33 = vector.broadcast %reduce_sum3A_32 : i32 to vector<16xi32>
    tpu.wait_dma2 semaphore(%arg13 : memref<!tpu.dma_semaphore, #tpu.memory_space<semaphore_mem>>) src(%arg5 : memref<4096xf32, #tpu.memory_space<hbm>>) dst(%arg9 : memref<4096xf32, #tpu.memory_space<vmem>>)
    %gather3A_34 = tpu.vector_load_idx %arg9[%broadcast_in_dim3A_33] : memref<4096xf32, #tpu.memory_space<vmem>>[vector<16xi32>], vector<16xf32>,
    %swap3A_35 = arith.constant 0 : index
    %swap3A_36 = tpu.vector_load %arg10[%swap3A_35] {strides = array<i32>} : memref<16xf32, #tpu.memory_space<vmem>>, vector<16xf32>,
    tpu.vector_store %arg10[%swap3A_35], %gather3A_34 {strides = array<i32>} : memref<16xf32, #tpu.memory_space<vmem>>, vector<16xf32>,
    "tpu.region"() ({
      %run_scoped3A = tpu.sem_alloc : memref<!tpu.dma_semaphore, #tpu.memory_space<semaphore_mem>>
      %dma_start3A_37 = arith.constant 0 : i32
      %dma_start3A_38 = tpu.memref_slice %arg10[%dma_start3A_37] : memref<16xf32, #tpu.memory_space<vmem>> -> memref<8xf32, #tpu.memory_space<vmem>>
      %dma_start3A_39 = arith.constant 0 : i32
      %dma_start3A_40 = tpu.memref_slice %arg10[%dma_start3A_39] : memref<16xf32, #tpu.memory_space<vmem>> -> memref<8xf32, #tpu.memory_space<vmem>>
      tpu.enqueue_dma source(%dma_start3A_40 : memref<8xf32, #tpu.memory_space<vmem>>) target(%arg6 : memref<8xf32, #tpu.memory_space<hbm>>) target_semaphore(%run_scoped3A : memref<!tpu.dma_semaphore, #tpu.memory_space<semaphore_mem>>)
      %dma_wait3A_41 = arith.constant 0 : i32
      %dma_wait3A_42 = tpu.memref_slice %arg10[%dma_wait3A_41] : memref<16xf32, #tpu.memory_space<vmem>> -> memref<8xf32, #tpu.memory_space<vmem>>
      %dma_wait3A_43 = arith.constant 0 : i32
      %dma_wait3A_44 = tpu.memref_slice %arg10[%dma_wait3A_43] : memref<16xf32, #tpu.memory_space<vmem>> -> memref<8xf32, #tpu.memory_space<vmem>>
      tpu.wait_dma2 semaphore(%run_scoped3A : memref<!tpu.dma_semaphore, #tpu.memory_space<semaphore_mem>>) src(%dma_wait3A_44 : memref<8xf32, #tpu.memory_space<vmem>>) dst(%arg6 : memref<8xf32, #tpu.memory_space<hbm>>)
      tpu.yield
    }) : () -> ()
    return
  }
}

</mosaic_0001>

<sc_bundles>
// kernel: kernel.3.cloned.1.call-start
scs
__scs_entry_jumppad:
0x0: {  	(pc) =	sbr.rel $0x88, $3  }
0x1: {  	(tag) =	ssettag $0x0;
	lr =	simm.s32 $0x1  }
0x2: {  	[smem:$0x3F9D] =	sst lr;
	_ =	strace $0xD0000000  }
0x3: {  	_ = 	snop  }
0x4: {  	_ = 	snop  }
0x5: {  	_ = 	snop  }
0x6: {  	_ = 	snop  }
0x7: {  	_ = 	snop  }
__scs_overlays_trampoline_lowered:
0x8: {  	[smem:$0x3FAC] =	sst s0  }
0x9: {  	[smem:$0x3FAD] =	sst s1  }
0xa: {  	[smem:$0x3FAE] =	sst s2  }
0xb: {  	[smem:$0x3FAF] =	sst s3  }
0xc: {  	[smem:$0x3FB0] =	sst s4  }
0xd: {  	[smem:$0x3FB1] =	sst s5  }
0xe: {  	[smem:$0x3FB2] =	sst s6  }
0xf: {  	[smem:$0x3FB3] =	sst s7  }
0x10: {  	[smem:$0x3FB4] =	sst s8  }
0x11: {  	[smem:$0x3FB5] =	sst s9;
	s0 =	simm.s32 @!p0 $0x0  }
0x12: {  	s1 =	sld [smem:$0x3F9B];
	s0 =	simm.s32 @p0 $0x1  }
0x13: {  	[smem:$0x3FB6] =	sst s0;
	s0 =	simm.s32 @!p1 $0x0  }
0x14: {  	s2 =	sld [smem:$0x3F9A];
	s0 =	simm.s32 @p1 $0x1  }
0x15: {  	[smem:$0x3FB7] =	sst s0;
	s0 =	simm.s32 @!p2 $0x0  }
0x16: {  	s3 =	sld [smem:$0x3FDB];
	s0 =	simm.s32 @p2 $0x1  }
0x17: {  	s4 =	simm.s32 $0x1BF5;
	[smem:$0x3FB9] =	sst s0  }
0x18: {  	s0 =	sld [smem:$0x3F9C];
	_ =	swait.ge [sflag:s4], $0x0  }
0x19: {  	s7 =	sld [smem:$0x3F9D]  }
0x1a: {  	s8 =	sadd.s32 $0xFFFFE003, lr  }
0x1b: {  	s9 =	sadd.s32 $0xFFFFFEF7, lr;
	s5 =	simm.s32 $0xFFFFFFFF;
	p2 =	slt.u32 s8, $0xFFFFF086  }
0x1c: {  	p1 =	slt.u32 s9, $0xF7A;
	s5 =	simm.s32 @!p2 $0x0  }
0x1d: {  	s5 =	simm.s32 @p1 $0x1;
	p0 =	seq.s32 s7, s2  }
0x1e: {  	s7 =	smul.u32 @!p0 $0xF7A, s2;
	p2 =	seq.s32 @!p0 s5, $0x0  }
0x1f: {  	s9 =	smul.u32 $0xF7A, s1;
	s8 =	simm.s32 @!p0 $0x1BF5;
	p2 =	por !p2, p0  }
0x20: {  	[sflag:s8] =	ssyncset.s32 @!p0 $0xFFFFF086;
	s6 =	sadd.s32 @!p0 s3, s7;
	s7 =	simm.s32 @!p0 $0x108  }
0x21: {  	s3 =	sadd.s32 s3, s9;
	s6 =	sadd.s32 @!p0 $0x88, s6;
	s7 =	simm.s32 @p2 $0x1082  }
0x22: {  	[simem:s7], [sflag:s8] =	dma.local @!p0 [hbm:s6], $0xF7A  }
0x23: {  	s9 =	sor.u32 $0xD0000000, s2;
	s6 =	simm.s32 $0x108;
	_ =	swait.ge @!p0 [sflag:s8], $0x0  }
0x24: {  	s3 =	sadd.s32 $0x88, s3;
	s6 =	simm.s32 @!p1 $0x1082;
	[sflag:s4] =	ssyncset.s32 $0xFFFFF086  }
0x25: {  	[simem:s6], [sflag:s4] =	dma.local [hbm:s3], $0xF7A  }
0x26: {  	[smem:$0x3F9D] =	sst s1;
	(tag) =	ssettag s2;
	_ =	strace s9  }
0x27: {  	s1 =	sld [smem:$0x3FAD]  }
0x28: {  	s2 =	sld [smem:$0x3FAE]  }
0x29: {  	s4 =	sld [smem:$0x3FB0]  }
0x2a: {  	p0 =	seq.s32 s5, $0x0;
	s5 =	sld [smem:$0x3FB1]  }
0x2b: {  	s6 =	sld [smem:$0x3FB2]  }
0x2c: {  	s7 =	sld [smem:$0x3FB3]  }
0x2d: {  	s3 =	simm.s32 $0x108;
	s8 =	sld [smem:$0x3FB4]  }
0x2e: {  	s3 =	simm.s32 @!p0 $0x1082;
	s9 =	sld [smem:$0x3FB5]  }
0x2f: {  	lr =	sadd.s32 s0, s3;
	s0 =	sld [smem:$0x3FAC]  }
0x30: {  	s3 =	sld [smem:$0x3FAF]  }
0x31: {  	[smem:$0x3FB8] =	sst s10  }
0x32: {  	s10 =	sld [smem:$0x3FB6];
	_ =	sdelay $0x3  }
0x33: {  	p0 =	seq.s32 s10, $0x1;
	s10 =	sld [smem:$0x3FB8];
	_ =	sdelay $0x3  }
0x34: {  	[smem:$0x3FB8] =	sst s10  }
0x35: {  	s10 =	sld [smem:$0x3FB7];
	_ =	sdelay $0x3  }
0x36: {  	p1 =	seq.s32 s10, $0x1;
	s10 =	sld [smem:$0x3FB8];
	_ =	sdelay $0x3  }
0x37: {  	[smem:$0x3FB8] =	sst s10  }
0x38: {  	s10 =	sld [smem:$0x3FB9]  }
0x39: {  	_ = 	snop;
	(pc) =	sbr.ind lr, $3  }
0x3a: {  	_ = 	snop  }
0x3b: {  	_ = 	snop  }
0x3c: {  	p2 =	seq.s32 s10, $0x1;
	s10 =	sld [smem:$0x3FB8]  }
0x3d: {  	_ =	shalt  }
0x3e: {  	_ =	shalt  }
0x3f: {  	_ =	shalt  }
0x40: {  	_ =	shalt  }
0x41: {  	_ =	shalt  }
0x42: {  	_ =	shalt  }
0x43: {  	_ =	shalt  }
0x44: {  	_ =	shalt  }
0x45: {  	_ =	shalt  }
0x46: {  	_ =	shalt  }
0x47: {  	_ =	shalt  }
0x48: {  	_ =	shalt  }
0x49: {  	_ =	shalt  }
0x4a: {  	_ =	shalt  }
0x4b: {  	_ =	shalt  }
0x4c: {  	_ =	shalt  }
0x4d: {  	_ =	shalt  }
0x4e: {  	_ =	shalt  }
0x4f: {  	_ =	shalt  }
0x50: {  	_ =	shalt  }
0x51: {  	_ =	shalt  }
0x52: {  	_ =	shalt  }
0x53: {  	_ =	shalt  }
0x54: {  	_ =	shalt  }
0x55: {  	_ =	shalt  }
0x56: {  	_ =	shalt  }
0x57: {  	_ =	shalt  }
0x58: {  	_ =	shalt  }
0x59: {  	_ =	shalt  }
0x5a: {  	_ =	shalt  }
0x5b: {  	_ =	shalt  }
0x5c: {  	_ =	shalt  }
0x5d: {  	_ =	shalt  }
0x5e: {  	_ =	shalt  }
0x5f: {  	_ =	shalt  }
0x60: {  	_ =	shalt  }
0x61: {  	_ =	shalt  }
0x62: {  	_ =	shalt  }
0x63: {  	_ =	shalt  }
0x64: {  	_ =	shalt  }
0x65: {  	_ =	shalt  }
0x66: {  	_ =	shalt  }
0x67: {  	_ =	shalt  }
0x68: {  	_ =	shalt  }
0x69: {  	_ =	shalt  }
0x6a: {  	_ =	shalt  }
0x6b: {  	_ =	shalt  }
0x6c: {  	_ =	shalt  }
0x6d: {  	_ =	shalt  }
0x6e: {  	_ =	shalt  }
0x6f: {  	_ =	shalt  }
0x70: {  	_ =	shalt  }
0x71: {  	_ =	shalt  }
0x72: {  	_ =	shalt  }
0x73: {  	_ =	shalt  }
0x74: {  	_ =	shalt  }
0x75: {  	_ =	shalt  }
0x76: {  	_ =	shalt  }
0x77: {  	_ =	shalt  }
0x78: {  	_ =	shalt  }
0x79: {  	_ =	shalt  }
0x7a: {  	_ =	shalt  }
0x7b: {  	_ =	shalt  }
0x7c: {  	_ =	shalt  }
0x7d: {  	_ =	shalt  }
0x7e: {  	_ =	shalt  }
0x7f: {  	_ =	shalt  }
0x80: {  	_ =	shalt  }
0x81: {  	_ =	shalt  }
0x82: {  	_ =	shalt  }
0x83: {  	_ =	shalt  }
0x84: {  	_ =	shalt  }
0x85: {  	_ =	shalt  }
0x86: {  	_ =	shalt  }
0x87: {  	_ =	shalt  }
.Lfunc_end0:
.L_simem_size_0:
called_computation_lowered:
.L_overlay_start_0:
0x88: {  	s0 =	sld [smem:$0x3FD9]  }
0x89: {  	s1 =	sld [smem:$0x3FFE];
	_ =	sdelay $0x3  }
0x8a: {  	s0 =	sadd.s32 s1, s0  }
0x8b: {  	[smem:$0x3FC4] =	sst s0  }
0x8c: {  	_ = 	snop  }
0x8d: {  	s0 =	sld [smem:$0x3FC9]  }
0x8e: {  	s17 =	sld [smem:$0x3FC8]  }
0x8f: {  	s2 =	sld [smem:$0x3FC7]  }
0x90: {  	s3 =	sld [smem:$0x3FC6]  }
0x91: {  	s4 =	sld [smem:$0x3FD0];
	(tm) =	ssettm $0x1  }
0x92: {  	s5 =	sld [smem:$0x3FFB];
	_ =	sdelay $0x3  }
0x93: {  	_ =	strace s5  }
0x94: {  	s5 =	sld [smem:$0x3FFC];
	_ =	sdelay $0x3  }
0x95: {  	_ =	strace s5  }
0x96: {  	s5 =	sld [smem:$0x3FFD];
	_ =	sdelay $0x3  }
0x97: {  	_ =	strace s5  }
0x98: {  	_ =	strace $0x8FFFFFFF  }
0x99: {  	s18 =	sld [smem:$0x3FDB];
	_ =	sdelay $0x1  }
0x9a: {  	s6 =	simm.s32 $_scs_section_size  }
0x9b: {  	s7 =	simm.s32 $_size__tile_overlayer_lowered;
	s8 =	simm.s32 $_tile_overlayer_lowered  }
0x9c: {  	s21 =	simm.s32 $0x1BFF;
	s20 =	sshll.u32 s8, $0x1;
	s5 =	sadd.s32 s6, s18  }
0x9d: {  	s9 =	simm.s32 $0x0;
	s19 =	sshll.u32 s7, $0x1;
	s7 =	sadd.s32 s20, s5  }
0x9e: {  	[timem:s9], [sflag:s21] =	dma.local [hbm:s7], s19  }
0x9f: {  	_ =	swait.ge [sflag:s21], s19  }
0xa0: {  	s6 =	ssub.s32 $0x0, s19;
	[sflag:s21] =	ssyncset.done $0x0  }
0xa1: {  	[sflag:s21] =	ssyncadd.s32 s6;
	_ =	sdelay $0x1  }
0xa2: {  	s22 =	simm.s32 $0x1B8B  }
0xa3: {  	_ =	swait.ge [sflag:s22], $0x1  }
0xa4: {  	[sflag:s22] =	ssyncset.done $0x0  }
0xa5: {  	s23 =	simm.s32 $0x1B8E;
	[sflag:s22] =	ssyncadd.s32 $0xFFFFFFFF  }
0xa6: {  	s24 =	simm.s32 $execute0_lowered;
	[smem:$0x3FD2] =	sst s23  }
0xa7: {  	s6 =	sshll.u32 s24, $0x1;
	_ =	strace $0x80000046;
	[dreg:$0x1] =	wrdreg $0xFFFFFFFF  }
0xa8: {  	s25 =	simm.s32 $_size_execute0_lowered;
	s5 =	sadd.s32 s5, s6;
	[dreg:$0x0] =	wrdreg $0x0  }
0xa9: {  	s6 =	sshll.u32 s25, $0x1;
	[dreg:$0x2] =	wrdreg s5  }
0xaa: {  	[dreg:$0x3] =	wrdreg s6  }
0xab: {  	[dreg:$0x4] =	wrdreg $0xC0  }
0xac: {  	_ =	task [dreg:s9], $0x5FFFF  }
0xad: {  	[dreg:$0x1] =	wrdreg $0xFFFFFFFF  }
0xae: {  	[dreg:$0x0] =	wrdreg $0x60  }
0xaf: {  	[dreg:$0x2] =	wrdreg s0  }
0xb0: {  	[dreg:$0x3] =	wrdreg s17  }
0xb1: {  	[dreg:$0x4] =	wrdreg s2  }
0xb2: {  	[dreg:$0x5] =	wrdreg s3  }
0xb3: {  	[dreg:$0x6] =	wrdreg s4  }
0xb4: {  	[dreg:$0x7] =	wrdreg $0x9  }
0xb5: {  	_ =	task.clear_ibuf [dreg:s9], $0x8FFFF;
	_ =	strace $0x90000046  }
0xb6: {  	s26 =	simm.s32 $0x9;
	_ =	strace $0x80000048  }
0xb7: {  	_ =	swait.ge [sflag:s26], $0x1  }
0xb8: {  	[sflag:s26] =	ssyncadd.s32 $0xFFFFFFFF  }
0xb9: {  	_ =	strace $0x90000048  }
0xba: {  	_ =	sfence  }
0xbb: {  	s28 =	sld [smem:$0x0];
	_ =	sdelay $0x1  }
0xbc: {  	s29 =	srdreg.scid  }
0xbd: {  	s30 =	sshll.u32 s29, $0xD;
	s31 =	sshrl.u32 s29, $0x2  }
0xbe: {  	s1 =	sand.u32 $0x1, s29;
	s2 =	sand.u32 $0x4000, s30;
	s0 =	sadd.s32 s31, s28  }
0xbf: {  	s1 =	sor.u32 s2, s1;
	s0 =	sshll.u32 s0, $0x11  }
0xc0: {  	s0 =	sor.u32 s0, s1  }
0xc1: {  	s0 =	sadd.s32 $0x8F2B, s0  }
0xc2: {  	[sflag:s0] =	ssyncadd.remote.s32 $0x1  }
0xc3: {  	_ =	sfence.sel $0xFFFF  }
0xc4: {  	[dreg:$0x0] =	wrdreg $0xFFFFFFFF;
	(pc) =	sbr.abs _section_cstart, $3  }
0xc5: {  	[dreg:$0x1] =	wrdreg $0xFFFFFFFF  }
0xc6: {  	_ =	task.clear_ibuf [dreg:s9], $0x2FFFF;
	_ =	strace $0x9FFFFFFF  }
0xc7: {  	(tm) =	ssettm $0x7FFFFFFF  }
tec
execute0_lowered:
.L_overlay_start_1:
0x0: {  	(tag) =	ssettag $0x1  }
0x1: {  	s1 =	rddreg [dreg:$0x0]  }
0x2: {  	s2 =	rddreg [dreg:$0x1]  }
0x3: {  	s3 =	rddreg [dreg:$0x2]  }
0x4: {  	s4 =	rddreg [dreg:$0x3];
	s6 =	stileid.u32  }
0x5: {  	s5 =	rddreg [dreg:$0x4];
	p0 =	sne.s32 s6, $0x0  }
0x6: {  	s0 =	rddreg [dreg:$0x5];
	v0 =	vimm.s32 @!p0 $0x0  }
0x7: {  	_ =	strace $0x80000047;
	s6 =	simm.s32 @!p0 $0x0;
	s7 =	simm.s32 @!p0 $0x1000;
	[tilespmem:$0x1000] =	vst @!p0 v0  }
0x8: {  	[tilespmem:s7], [sflag:$0x4] =	stream.linear.gather @!p0 [hbm4b:s3+s6], $0xC, $0x38;
	[tilespmem:$0x2100] =	vst v63  }
0x9: {  	_ = 	snop  }
0xa: {  	[tilespmem:s6], [sflag:$0x1] =	stream.linear.gather @!p0 [hbm4b:s1+s6], $0x800, $0x38;
	[tilespmem:$0x2100] =	vst v63  }
0xb: {  	s1 =	simm.s32 @!p0 $0x800  }
0xc: {  	[tilespmem:s1], [sflag:$0x2] =	stream.linear.gather @!p0 [hbm4b:s2+s6], $0x800, $0x38;
	[tilespmem:$0x2100] =	vst v63  }
0xd: {  	s1 =	simm.s32 @!p0 $0x1080;
	s2 =	simm.s32 @!p0 $0x4  }
0xe: {  	[tilespmem:s1], [sflag:$0x3] =	stream.linear.gather @!p0 [hbm4b:s4+s6], $0x1000, $0x38;
	[tilespmem:$0x2100] =	vst v63  }
0xf: {  	_ =	swait.ge @!p0 [sflag:s2], $0xC  }
0x10: {  	[sflag:s2] =	ssyncset.done @!p0 $0x0  }
0x11: {  	[sflag:s2] =	ssyncadd.s32 @!p0 $0xFFFFFFF4;
	s2 =	simm.s32 @!p0 $0x1  }
0x12: {  	_ =	swait.ge @!p0 [sflag:s2], $0x800  }
0x13: {  	[sflag:s2] =	ssyncset.done @!p0 $0x0  }
0x14: {  	[sflag:s2] =	ssyncadd.s32 @!p0 $0xFFFFF800;
	s2 =	simm.s32 @!p0 $0x2  }
0x15: {  	_ =	swait.ge @!p0 [sflag:s2], $0x800  }
0x16: {  	[sflag:s2] =	ssyncset.done @!p0 $0x0  }
0x17: {  	[sflag:s2] =	ssyncadd.s32 @!p0 $0xFFFFF800  }
0x18: {  	v0 =	vld @!p0 [tilespmem:$0x1000];
	_ =	sdelay $0x3  }
0x19: {  	v1 =	vimm.s32 @!p0 $0x8040201;
	v2 =	vimm.s32 @!p0 $0x80402010  }
0x1a: {  	v1 =	vunpack.c.0.s8.s32 @!p0 v1;
	v2 =	vunpack.c.0.s8.s32 @!p0 v2  }
0x1b: {  	vm0 =	vcmask @!p0 $0xF00  }
0x1c: {  	v1 =	vnsel @!p0 vm0, $0x0, v1;
	v2 =	vand.u32 @!p0 $0xFF, v2;
	vm0 =	vcmask @!p0 $0x1F10  }
0x1d: {  	v1 =	vsel @!p0 vm0, v2, v1;
	vm0 =	vcmask @!p0 $0x2320;
	v0 =	vld.idx.msk @!p0 [tilespmem:v0+s6+$0x0], $0xffff  }
0x1e: {  	v1 =	vsel @!p0 vm0, $0x100, v1;
	vm0 =	vcmask @!p0 $0x2724  }
0x1f: {  	v1 =	vsel @!p0 vm0, $0x200, v1;
	vm0 =	vcmask @!p0 $0x2B28  }
0x20: {  	v1 =	vsel @!p0 vm0, $0x400, v1;
	vm0 =	vcmask @!p0 $0x2F2C  }
0x21: {  	v1 =	vsel @!p0 vm0, $0x800, v1  }
0x22: {  	v0 =	vmul.u32 @!p0 v1, v0;
	_ =	sdelay $0x1  }
0x23: {  	(xrf0) =	vadd.scan.msk.s32 @!p0 $0xffff, v0;
	_ =	sdelay $0x5  }
0x24: {  	v0, _, _ =	vpop @!p0 (xrf0)  }
0x25: {  	v0 =	vbroadcast @!p0 v0, $0xF;
	_ =	sdelay $0x1  }
0x26: {  	s2 =	simm.s32 @!p0 $0x3  }
0x27: {  	_ =	swait.ge @!p0 [sflag:s2], $0x1000  }
0x28: {  	[sflag:s2] =	ssyncset.done @!p0 $0x0  }
0x29: {  	[sflag:s2] =	ssyncadd.s32 @!p0 $0xFFFFF000  }
0x2a: {  	v0 =	vld.idx.msk @!p0 [tilespmem:v0+s1+$0x0], $0xffff;
	_ =	sdelay $0x4  }
0x2b: {  	s1 =	simm.s32 @!p0 $0x2080;
	[tilespmem:$0x2080] =	vst @!p0 v0  }
0x2c: {  	[hbm4b:s5+s6] =	stream.linear.scatter @!p0 [tilespmem:s1], [sflag:$0x5], $0x8, $0x38;
	[tilespmem:$0x2100] =	vst v63  }
0x2d: {  	s1 =	simm.s32 @!p0 $0x5  }
0x2e: {  	_ =	swait.ge @!p0 [sflag:s1], $0x8  }
0x2f: {  	[sflag:s1] =	ssyncset.done @!p0 $0x0  }
0x30: {  	[sflag:s1] =	ssyncadd.s32 @!p0 $0xFFFFFFF8  }
0x31: {  	_ =	sfence.sel $0x180000  }
0x32: {  	[bflag:$0x0] =	sbarrier.arrive $0xFFFF  }
0x33: {  	_ =	strace $0x90000047  }
0x34: {  	s0 =	sadd.s32 @!p0 $0x100000, s0;
	[bflag:$0x2] =	sbarrier.arrive $0xFFFF  }
0x35: {  	[sflag:s0] =	ssyncadd.tile.s32 @!p0 $0x1;
	_ =	shalt  }
.Lfunc_end2:
_tile_overlayer_lowered:
.L_overlay_start_2:
0x36: {  	(tag) =	ssettag $0x2  }
0x37: {  	s0 =	rddreg [dreg:$0x0];
	s2 =	stileid.u32  }
0x38: {  	s1 =	rddreg [dreg:$0x1];
	p0 =	sne.s32 s2, $0x0  }
0x39: {  	s3 =	rddreg [dreg:$0x2];
	[bflag:$0x3] =	sbarrier.arrive $0xFFFF;
	s2 =	simm.s32 @!p0 $0x1C05  }
0x3a: {  	[timem:s3], [sflag:s2] =	dma.local @!p0 [hbm:s0], s1  }
0x3b: {  	s0 =	simm.s32 @!p0 $0x5  }
0x3c: {  	_ =	swait.ge @!p0 [sflag:s0], s1  }
0x3d: {  	s1 =	ssub.s32 @!p0 $0x0, s1;
	[sflag:s0] =	ssyncset.done @!p0 $0x0  }
0x3e: {  	[sflag:s0] =	ssyncadd.s32 @!p0 s1  }
0x3f: {  	[bflag:$0x3] =	sbarrier.arrive $0xFFFF  }
0x40: {  	_ =	shalt  }

</sc_bundles>
